<compile_context>
chip_gen: v7x
topology: tpu7x:2x2x1
jax: 0.10.2.dev20260603
libtpu: 0.0.44.dev20260713+nightly
codegen_flags: <defaults>
</compile_context>

<pallas_src>
import functools

import jax
import jax.numpy as jnp
from jax import lax
from jax.experimental import pallas as pl
from jax.experimental.pallas import tpu as pltpu
from jax.experimental.pallas import tpu_sc as plsc

NUM_FIELDS = 26
FIELD_DIM = 100000
EMBED_DIM = 16
BATCH = 16384

NC, NS = 2, 16
NW = NC * NS
BF = BATCH * NUM_FIELDS
CHUNK = 128
CPT = BF // NW // CHUNK
ROWS_PER_TILE = BF // NW
K = 4
GROUPS = CPT // K


def _sc_gather(flat_idx, x_rows, emb2d, wide2d):
    mesh = plsc.VectorSubcoreMesh(
        core_axis_name="c", subcore_axis_name="s",
        num_cores=NC, num_subcores=NS)

    def body(idx_hbm, xw_hbm, emb_hbm, wide_hbm, deep_out, wide_out,
             idx_v, xw_v, deep_b, wide_b, sem):
        wid = lax.axis_index("s") * NC + lax.axis_index("c")
        row0 = wid * CPT
        base = wid * ROWS_PER_TILE
        pltpu.sync_copy(idx_hbm.at[pl.ds(row0, CPT)], idx_v)
        pltpu.sync_copy(xw_hbm.at[pl.ds(row0, CPT)], xw_v)

        def chunk(j, c):
            pltpu.make_async_copy(emb_hbm.at[idx_v.at[j]], deep_b, sem).start()
            pltpu.make_async_copy(wide_hbm.at[xw_v.at[j]], wide_b, sem).start()
            pltpu.make_async_copy(emb_hbm.at[idx_v.at[j]], deep_b, sem).wait()
            pltpu.make_async_copy(wide_hbm.at[xw_v.at[j]], wide_b, sem).wait()
            pltpu.sync_copy(deep_b, deep_out.at[pl.ds(base + j * CHUNK, CHUNK)])
            pltpu.sync_copy(wide_b, wide_out.at[pl.ds(base + j * CHUNK, CHUNK)])
            return c

        lax.fori_loop(0, CPT, chunk, 0)

    return pl.kernel(
        body,
        out_type=[
            jax.ShapeDtypeStruct((BF, EMBED_DIM), jnp.float32),
            jax.ShapeDtypeStruct((BF, 1), jnp.float32),
        ],
        mesh=mesh,
        scratch_types=[
            pltpu.VMEM((CPT, CHUNK), jnp.int32),
            pltpu.VMEM((CPT, CHUNK), jnp.int32),
            pltpu.VMEM((CHUNK, EMBED_DIM), jnp.float32),
            pltpu.VMEM((CHUNK, 1), jnp.float32),
            pltpu.SemaphoreType.DMA,
        ],
        compiler_params=pltpu.CompilerParams(use_tc_tiling_on_sc=False),
    )(flat_idx, x_rows, emb2d, wide2d)


def _tc_mlp(gath, widev, W1, b1, W2, b2, W3t, b3):
    BR = 1024
    grid = BATCH // BR

    def body(x_ref, wv_ref, w1_ref, b1_ref, w2_ref, b2_ref, w3t_ref, b3_ref,
             o_ref):
        x = x_ref[...]
        h = jnp.dot(x, w1_ref[...], preferred_element_type=jnp.float32)
        h = jnp.maximum(h + b1_ref[...], 0.0)
        h = jnp.dot(h, w2_ref[...], preferred_element_type=jnp.float32)
        h = jnp.maximum(h + b2_ref[...], 0.0)
        deep = jnp.sum(h * w3t_ref[...], axis=1, keepdims=True)
        wide = jnp.sum(wv_ref[...], axis=1, keepdims=True)
        o_ref[...] = deep + wide + b3_ref[...]

    return pl.pallas_call(
        body,
        grid=(grid,),
        in_specs=[
            pl.BlockSpec((BR, NUM_FIELDS * EMBED_DIM), lambda i: (i, 0)),
            pl.BlockSpec((BR, NUM_FIELDS), lambda i: (i, 0)),
            pl.BlockSpec((NUM_FIELDS * EMBED_DIM, 64), lambda i: (0, 0)),
            pl.BlockSpec((1, 64), lambda i: (0, 0)),
            pl.BlockSpec((64, 32), lambda i: (0, 0)),
            pl.BlockSpec((1, 32), lambda i: (0, 0)),
            pl.BlockSpec((1, 32), lambda i: (0, 0)),
            pl.BlockSpec((1, 1), lambda i: (0, 0)),
        ],
        out_specs=pl.BlockSpec((BR, 1), lambda i: (i, 0)),
        out_shape=jax.ShapeDtypeStruct((BATCH, 1), jnp.float32),
    )(gath, widev, W1, b1, W2, b2, W3t, b3)


def kernel(x, wide_w, emb, W1, b1, W2, b2, W3, b3):
    offs = (jnp.arange(NUM_FIELDS, dtype=jnp.int32) * FIELD_DIM)[None, :]
    flat_idx = (x + offs).reshape(BF // CHUNK, CHUNK)
    x_rows = x.reshape(BF // CHUNK, CHUNK)
    emb2d = emb.reshape(NUM_FIELDS * FIELD_DIM, EMBED_DIM)

    deep_rows, wide_vals = _sc_gather(flat_idx, x_rows, emb2d, wide_w)

    gath = deep_rows.reshape(BATCH, NUM_FIELDS * EMBED_DIM)
    widev = wide_vals.reshape(BATCH, NUM_FIELDS)
    out = _tc_mlp(gath, widev, W1, b1.reshape(1, 64), W2, b2.reshape(1, 32),
                  W3.reshape(1, 32), b3.reshape(1, 1))
    return out.reshape(BATCH)

# --- scband reference (transcript-rebuilt; emitter-appended) ---
"""Pipeline reference for scband-wide-and-deep-89773406421169 (READ-ONLY COPY).

The authoritative reference and input builder live on the scoring server;
editing this copy changes nothing except your own understanding.
"""

import jax, jax.numpy as jnp
import numpy as np

NUM_FIELDS = 26
FIELD_DIM = 100000
EMBED_DIM = 16
BATCH = 16384


def setup_inputs(seed: int = 0) -> dict:
    key = jax.random.key(seed)
    ks = jax.random.split(key, 10)
    x = jax.random.randint(ks[0], (BATCH, NUM_FIELDS), 0, FIELD_DIM, dtype=jnp.int32)
    # wide EmbeddingBag table: sum(field_dims) x 1
    wide_w = jax.random.normal(ks[1], (NUM_FIELDS * FIELD_DIM, 1), dtype=jnp.float32) * 0.01
    # per-field embedding tables, stacked: [F, V, D]
    emb = jax.random.normal(ks[2], (NUM_FIELDS, FIELD_DIM, EMBED_DIM), dtype=jnp.float32) * 0.01
    # deep MLP params (torch Linear: y = x @ W.T + b; here stored as [in, out])
    W1 = jax.random.normal(ks[3], (NUM_FIELDS * EMBED_DIM, 64), dtype=jnp.float32) * 0.05
    b1 = jnp.zeros((64,), dtype=jnp.float32)
    W2 = jax.random.normal(ks[4], (64, 32), dtype=jnp.float32) * 0.05
    b2 = jnp.zeros((32,), dtype=jnp.float32)
    W3 = jax.random.normal(ks[5], (32, 1), dtype=jnp.float32) * 0.05
    b3 = jnp.zeros((1,), dtype=jnp.float32)
    return {"x": x, "wide_w": wide_w, "emb": emb, "W1": W1, "b1": b1, "W2": W2, "b2": b2, "W3": W3, "b3": b3}


def reference(x, wide_w, emb, W1, b1, W2, b2, W3, b3):
    # wide: EmbeddingBag(mode='sum') over the 26 indices per row -> [B, 1]
    wide_part = jnp.take(wide_w, x, axis=0).sum(axis=1)
    # deep: per-field embedding lookup, concatenated -> [B, F*D]
    field_idx = jnp.arange(NUM_FIELDS)[None, :]
    gathered = emb[field_idx, x]  # [B, F, D]
    deep = gathered.reshape(x.shape[0], NUM_FIELDS * EMBED_DIM)
    h = jax.nn.relu(deep @ W1 + b1)
    h = jax.nn.relu(h @ W2 + b2)
    deep_part = h @ W3 + b3  # [B, 1]
    out = wide_part + deep_part
    return out.squeeze(1)

if __name__ == "__main__":
    import jax
    _d = setup_inputs()
    print(jax.jit(kernel)(*tuple(_d.values())))

</pallas_src>

<mosaic_0001>
#map = affine_map<(d0, d1) -> (0, 0)>
module attributes {stable_mosaic.version = 14 : i64} {
  func.func @body(%arg0: i32, %arg1: i32, %arg2: memref<3328x128xi32, #tpu.memory_space<hbm>>, %arg3: memref<3328x128xi32, #tpu.memory_space<hbm>>, %arg4: memref<2600000x16xf32, #tpu.memory_space<hbm>>, %arg5: memref<2600000x1xf32, #tpu.memory_space<hbm>>, %arg6: memref<425984x16xf32, #tpu.memory_space<hbm>>, %arg7: memref<425984x1xf32, #tpu.memory_space<hbm>>, %arg8: memref<104x128xi32, #tpu.memory_space<vmem>>, %arg9: memref<104x128xi32, #tpu.memory_space<vmem>>, %arg10: memref<128x16xf32, #tpu.memory_space<vmem>>, %arg11: memref<128x1xf32, #tpu.memory_space<vmem>>, %arg12: memref<!tpu.dma_semaphore, #tpu.memory_space<semaphore_mem>>) attributes {dimension_semantics = [#tpu.dimension_semantics<core_parallel>, #tpu.dimension_semantics<subcore_parallel>], iteration_bounds = array<i64: 2, 16>, scalar_prefetch = 0 : i64, scratch_operands = 5 : i64, tpu.core_type = #tpu.core_type<sc_vector_subcore>, window_params = [{transform_indices = #map}, {transform_indices = #map}, {transform_indices = #map}, {transform_indices = #map}, {transform_indices = #map}, {transform_indices = #map}]} {
    %mul3A = arith.constant 2 : i32
    %mul3A_0 = arith.muli %arg1, %mul3A : i32
    %add3A = arith.addi %mul3A_0, %arg0 : i32
    %mul3A_1 = arith.constant 104 : i32
    %mul3A_2 = arith.muli %add3A, %mul3A_1 : i32
    %mul3A_3 = arith.constant 13312 : i32
    %mul3A_4 = arith.muli %add3A, %mul3A_3 : i32
    "tpu.region"() ({
      %run_scoped3A = tpu.sem_alloc : memref<!tpu.dma_semaphore, #tpu.memory_space<semaphore_mem>>
      %dma_start3A = arith.constant 0 : i32
      %dma_start3A_10 = tpu.memref_slice %arg2[%mul3A_2, %dma_start3A] : memref<3328x128xi32, #tpu.memory_space<hbm>> -> memref<104x128xi32, #tpu.memory_space<hbm>>
      %dma_start3A_11 = arith.constant 0 : i32
      %dma_start3A_12 = tpu.memref_slice %arg2[%mul3A_2, %dma_start3A_11] : memref<3328x128xi32, #tpu.memory_space<hbm>> -> memref<104x128xi32, #tpu.memory_space<hbm>>
      tpu.enqueue_dma source(%dma_start3A_12 : memref<104x128xi32, #tpu.memory_space<hbm>>) target(%arg8 : memref<104x128xi32, #tpu.memory_space<vmem>>) target_semaphore(%run_scoped3A : memref<!tpu.dma_semaphore, #tpu.memory_space<semaphore_mem>>)
      %dma_wait3A = arith.constant 0 : i32
      %dma_wait3A_13 = tpu.memref_slice %arg2[%mul3A_2, %dma_wait3A] : memref<3328x128xi32, #tpu.memory_space<hbm>> -> memref<104x128xi32, #tpu.memory_space<hbm>>
      %dma_wait3A_14 = arith.constant 0 : i32
      %dma_wait3A_15 = tpu.memref_slice %arg2[%mul3A_2, %dma_wait3A_14] : memref<3328x128xi32, #tpu.memory_space<hbm>> -> memref<104x128xi32, #tpu.memory_space<hbm>>
      tpu.wait_dma2 semaphore(%run_scoped3A : memref<!tpu.dma_semaphore, #tpu.memory_space<semaphore_mem>>) src(%dma_wait3A_15 : memref<104x128xi32, #tpu.memory_space<hbm>>) dst(%arg8 : memref<104x128xi32, #tpu.memory_space<vmem>>)
      tpu.yield
    }) : () -> ()
    "tpu.region"() ({
      %run_scoped3A = tpu.sem_alloc : memref<!tpu.dma_semaphore, #tpu.memory_space<semaphore_mem>>
      %dma_start3A = arith.constant 0 : i32
      %dma_start3A_10 = tpu.memref_slice %arg3[%mul3A_2, %dma_start3A] : memref<3328x128xi32, #tpu.memory_space<hbm>> -> memref<104x128xi32, #tpu.memory_space<hbm>>
      %dma_start3A_11 = arith.constant 0 : i32
      %dma_start3A_12 = tpu.memref_slice %arg3[%mul3A_2, %dma_start3A_11] : memref<3328x128xi32, #tpu.memory_space<hbm>> -> memref<104x128xi32, #tpu.memory_space<hbm>>
      tpu.enqueue_dma source(%dma_start3A_12 : memref<104x128xi32, #tpu.memory_space<hbm>>) target(%arg9 : memref<104x128xi32, #tpu.memory_space<vmem>>) target_semaphore(%run_scoped3A : memref<!tpu.dma_semaphore, #tpu.memory_space<semaphore_mem>>)
      %dma_wait3A = arith.constant 0 : i32
      %dma_wait3A_13 = tpu.memref_slice %arg3[%mul3A_2, %dma_wait3A] : memref<3328x128xi32, #tpu.memory_space<hbm>> -> memref<104x128xi32, #tpu.memory_space<hbm>>
      %dma_wait3A_14 = arith.constant 0 : i32
      %dma_wait3A_15 = tpu.memref_slice %arg3[%mul3A_2, %dma_wait3A_14] : memref<3328x128xi32, #tpu.memory_space<hbm>> -> memref<104x128xi32, #tpu.memory_space<hbm>>
      tpu.wait_dma2 semaphore(%run_scoped3A : memref<!tpu.dma_semaphore, #tpu.memory_space<semaphore_mem>>) src(%dma_wait3A_15 : memref<104x128xi32, #tpu.memory_space<hbm>>) dst(%arg9 : memref<104x128xi32, #tpu.memory_space<vmem>>)
      tpu.yield
    }) : () -> ()
    %scan3A = arith.constant 0 : i32
    %scan3A_5 = arith.constant 0 : i32
    %scan3A_6 = arith.constant 104 : i32
    %scan3A_7 = arith.addi %scan3A_5, %scan3A_6 : i32
    %scan3A_8 = arith.constant 1 : i32
    scf.for %scan3A_10 = %scan3A_5 to %scan3A_7 step %scan3A_8  : i32 {
      %dma_start3A = arith.constant 0 : i32
      %dma_start3A_11 = tpu.memref_slice %arg8[%scan3A_10, %dma_start3A] : memref<104x128xi32, #tpu.memory_space<vmem>> -> memref<1x128xi32, #tpu.memory_space<vmem>>
      %dma_start3A_12 = tpu.memref_squeeze %dma_start3A_11 : memref<1x128xi32, #tpu.memory_space<vmem>> -> memref<128xi32, #tpu.memory_space<vmem>>
      %dma_start3A_13 = arith.constant 0 : i32
      %dma_start3A_14 = arith.constant 0 : i32
      %dma_start3A_15 = tpu.memref_slice %arg4[%dma_start3A_13, %dma_start3A_14] : memref<2600000x16xf32, #tpu.memory_space<hbm>> -> memref<2600000x16xf32, #tpu.memory_space<hbm>>
      tpu.enqueue_indirect_dma source(%dma_start3A_15 : memref<2600000x16xf32, #tpu.memory_space<hbm>>) target(%arg10 : memref<128x16xf32, #tpu.memory_space<vmem>>) offsets(%dma_start3A_12 : memref<128xi32, #tpu.memory_space<vmem>>) semaphore(%arg12 : memref<!tpu.dma_semaphore, #tpu.memory_space<semaphore_mem>>)
      %dma_start3A_16 = arith.constant 0 : i32
      %dma_start3A_17 = tpu.memref_slice %arg9[%scan3A_10, %dma_start3A_16] : memref<104x128xi32, #tpu.memory_space<vmem>> -> memref<1x128xi32, #tpu.memory_space<vmem>>
      %dma_start3A_18 = tpu.memref_squeeze %dma_start3A_17 : memref<1x128xi32, #tpu.memory_space<vmem>> -> memref<128xi32, #tpu.memory_space<vmem>>
      %dma_start3A_19 = arith.constant 0 : i32
      %dma_start3A_20 = arith.constant 0 : i32
      %dma_start3A_21 = tpu.memref_slice %arg5[%dma_start3A_19, %dma_start3A_20] : memref<2600000x1xf32, #tpu.memory_space<hbm>> -> memref<2600000x1xf32, #tpu.memory_space<hbm>>
      tpu.enqueue_indirect_dma source(%dma_start3A_21 : memref<2600000x1xf32, #tpu.memory_space<hbm>>) target(%arg11 : memref<128x1xf32, #tpu.memory_space<vmem>>) offsets(%dma_start3A_18 : memref<128xi32, #tpu.memory_space<vmem>>) semaphore(%arg12 : memref<!tpu.dma_semaphore, #tpu.memory_space<semaphore_mem>>)
      %dma_wait3A = arith.constant 0 : i32
      %dma_wait3A_22 = tpu.memref_slice %arg8[%scan3A_10, %dma_wait3A] : memref<104x128xi32, #tpu.memory_space<vmem>> -> memref<1x128xi32, #tpu.memory_space<vmem>>
      %dma_wait3A_23 = tpu.memref_squeeze %dma_wait3A_22 : memref<1x128xi32, #tpu.memory_space<vmem>> -> memref<128xi32, #tpu.memory_space<vmem>>
      %dma_wait3A_24 = arith.constant 0 : i32
      %dma_wait3A_25 = arith.constant 0 : i32
      %dma_wait3A_26 = tpu.memref_slice %arg4[%dma_wait3A_24, %dma_wait3A_25] : memref<2600000x16xf32, #tpu.memory_space<hbm>> -> memref<2600000x16xf32, #tpu.memory_space<hbm>>
      tpu.wait_indirect_dma semaphore(%arg12 : memref<!tpu.dma_semaphore, #tpu.memory_space<semaphore_mem>>) src(%dma_wait3A_26 : memref<2600000x16xf32, #tpu.memory_space<hbm>>) dst(%arg10 : memref<128x16xf32, #tpu.memory_space<vmem>>)
      %dma_wait3A_27 = arith.constant 0 : i32
      %dma_wait3A_28 = tpu.memref_slice %arg9[%scan3A_10, %dma_wait3A_27] : memref<104x128xi32, #tpu.memory_space<vmem>> -> memref<1x128xi32, #tpu.memory_space<vmem>>
      %dma_wait3A_29 = tpu.memref_squeeze %dma_wait3A_28 : memref<1x128xi32, #tpu.memory_space<vmem>> -> memref<128xi32, #tpu.memory_space<vmem>>
      %dma_wait3A_30 = arith.constant 0 : i32
      %dma_wait3A_31 = arith.constant 0 : i32
      %dma_wait3A_32 = tpu.memref_slice %arg5[%dma_wait3A_30, %dma_wait3A_31] : memref<2600000x1xf32, #tpu.memory_space<hbm>> -> memref<2600000x1xf32, #tpu.memory_space<hbm>>
      tpu.wait_indirect_dma semaphore(%arg12 : memref<!tpu.dma_semaphore, #tpu.memory_space<semaphore_mem>>) src(%dma_wait3A_32 : memref<2600000x1xf32, #tpu.memory_space<hbm>>) dst(%arg11 : memref<128x1xf32, #tpu.memory_space<vmem>>)
      %mul3A_33 = arith.constant 128 : i32
      %mul3A_34 = arith.muli %scan3A_10, %mul3A_33 : i32
      %add3A_35 = arith.addi %mul3A_4, %mul3A_34 : i32
      "tpu.region"() ({
        %run_scoped3A = tpu.sem_alloc : memref<!tpu.dma_semaphore, #tpu.memory_space<semaphore_mem>>
        %dma_start3A_39 = arith.constant 0 : i32
        %dma_start3A_40 = tpu.memref_slice %arg6[%add3A_35, %dma_start3A_39] : memref<425984x16xf32, #tpu.memory_space<hbm>> -> memref<128x16xf32, #tpu.memory_space<hbm>>
        %dma_start3A_41 = arith.constant 0 : i32
        %dma_start3A_42 = tpu.memref_slice %arg6[%add3A_35, %dma_start3A_41] : memref<425984x16xf32, #tpu.memory_space<hbm>> -> memref<128x16xf32, #tpu.memory_space<hbm>>
        tpu.enqueue_dma source(%arg10 : memref<128x16xf32, #tpu.memory_space<vmem>>) target(%dma_start3A_42 : memref<128x16xf32, #tpu.memory_space<hbm>>) target_semaphore(%run_scoped3A : memref<!tpu.dma_semaphore, #tpu.memory_space<semaphore_mem>>)
        %dma_wait3A_43 = arith.constant 0 : i32
        %dma_wait3A_44 = tpu.memref_slice %arg6[%add3A_35, %dma_wait3A_43] : memref<425984x16xf32, #tpu.memory_space<hbm>> -> memref<128x16xf32, #tpu.memory_space<hbm>>
        %dma_wait3A_45 = arith.constant 0 : i32
        %dma_wait3A_46 = tpu.memref_slice %arg6[%add3A_35, %dma_wait3A_45] : memref<425984x16xf32, #tpu.memory_space<hbm>> -> memref<128x16xf32, #tpu.memory_space<hbm>>
        tpu.wait_dma2 semaphore(%run_scoped3A : memref<!tpu.dma_semaphore, #tpu.memory_space<semaphore_mem>>) src(%arg10 : memref<128x16xf32, #tpu.memory_space<vmem>>) dst(%dma_wait3A_46 : memref<128x16xf32, #tpu.memory_space<hbm>>)
        tpu.yield
      }) : () -> ()
      %mul3A_36 = arith.constant 128 : i32
      %mul3A_37 = arith.muli %scan3A_10, %mul3A_36 : i32
      %add3A_38 = arith.addi %mul3A_4, %mul3A_37 : i32
      "tpu.region"() ({
        %run_scoped3A = tpu.sem_alloc : memref<!tpu.dma_semaphore, #tpu.memory_space<semaphore_mem>>
        %dma_start3A_39 = arith.constant 0 : i32
        %dma_start3A_40 = tpu.memref_slice %arg7[%add3A_38, %dma_start3A_39] : memref<425984x1xf32, #tpu.memory_space<hbm>> -> memref<128x1xf32, #tpu.memory_space<hbm>>
        %dma_start3A_41 = arith.constant 0 : i32
        %dma_start3A_42 = tpu.memref_slice %arg7[%add3A_38, %dma_start3A_41] : memref<425984x1xf32, #tpu.memory_space<hbm>> -> memref<128x1xf32, #tpu.memory_space<hbm>>
        tpu.enqueue_dma source(%arg11 : memref<128x1xf32, #tpu.memory_space<vmem>>) target(%dma_start3A_42 : memref<128x1xf32, #tpu.memory_space<hbm>>) target_semaphore(%run_scoped3A : memref<!tpu.dma_semaphore, #tpu.memory_space<semaphore_mem>>)
        %dma_wait3A_43 = arith.constant 0 : i32
        %dma_wait3A_44 = tpu.memref_slice %arg7[%add3A_38, %dma_wait3A_43] : memref<425984x1xf32, #tpu.memory_space<hbm>> -> memref<128x1xf32, #tpu.memory_space<hbm>>
        %dma_wait3A_45 = arith.constant 0 : i32
        %dma_wait3A_46 = tpu.memref_slice %arg7[%add3A_38, %dma_wait3A_45] : memref<425984x1xf32, #tpu.memory_space<hbm>> -> memref<128x1xf32, #tpu.memory_space<hbm>>
        tpu.wait_dma2 semaphore(%run_scoped3A : memref<!tpu.dma_semaphore, #tpu.memory_space<semaphore_mem>>) src(%arg11 : memref<128x1xf32, #tpu.memory_space<vmem>>) dst(%dma_wait3A_46 : memref<128x1xf32, #tpu.memory_space<hbm>>)
        tpu.yield
      }) : () -> ()
    }
    %scan3A_9 = arith.constant 104 : i32
    return
  }
}

module attributes {stable_mosaic.version = 14 : i64} {
  func.func @body(%arg0: i32, %arg1: memref<1024x416xf32, #tpu.memory_space<vmem>>, %arg2: memref<1024x26xf32, #tpu.memory_space<vmem>>, %arg3: memref<416x64xf32, #tpu.memory_space<vmem>>, %arg4: memref<1x64xf32, #tpu.memory_space<vmem>>, %arg5: memref<64x32xf32, #tpu.memory_space<vmem>>, %arg6: memref<1x32xf32, #tpu.memory_space<vmem>>, %arg7: memref<1x32xf32, #tpu.memory_space<vmem>>, %arg8: memref<1x1xf32, #tpu.memory_space<vmem>>, %arg9: memref<1024x1xf32, #tpu.memory_space<vmem>>) attributes {dimension_semantics = [#tpu.dimension_semantics<arbitrary>], iteration_bounds = array<i64: 16>, scalar_prefetch = 0 : i64, scratch_operands = 0 : i64, tpu.core_type = #tpu.core_type<tc>, window_params = [{transform_indices = @transform_0, window_bounds = array<i64: 1024, 416>}, {transform_indices = @transform_1, window_bounds = array<i64: 1024, 26>}, {pipeline_mode = #tpu.pipeline_mode<synchronous>, transform_indices = @transform_2, window_bounds = array<i64: 416, 64>}, {pipeline_mode = #tpu.pipeline_mode<synchronous>, transform_indices = @transform_3, window_bounds = array<i64: 1, 64>}, {pipeline_mode = #tpu.pipeline_mode<synchronous>, transform_indices = @transform_4, window_bounds = array<i64: 64, 32>}, {pipeline_mode = #tpu.pipeline_mode<synchronous>, transform_indices = @transform_5, window_bounds = array<i64: 1, 32>}, {pipeline_mode = #tpu.pipeline_mode<synchronous>, transform_indices = @transform_6, window_bounds = array<i64: 1, 32>}, {pipeline_mode = #tpu.pipeline_mode<synchronous>, transform_indices = @transform_7, window_bounds = array<i64: 1, 1>}, {transform_indices = @transform_8, window_bounds = array<i64: 1024, 1>}]} {
    %get3A = arith.constant 0 : index
    %get3A_0 = arith.constant 0 : index
    %get3A_1 = vector.load %arg1[%get3A, %get3A_0] : memref<1024x416xf32, #tpu.memory_space<vmem>>, vector<1024x416xf32>
    %get3A_2 = arith.constant 0 : index
    %get3A_3 = arith.constant 0 : index
    %get3A_4 = vector.load %arg3[%get3A_2, %get3A_3] : memref<416x64xf32, #tpu.memory_space<vmem>>, vector<416x64xf32>
    %dot_general3A = arith.constant dense<0.000000e+00> : vector<1024x64xf32>
    %dot_general3A_5 = tpu.matmul %get3A_1, %get3A_4, %dot_general3A {dimension_numbers = #tpu.dot_dimension_numbers<[1], [0], [0], [1], [0, 0, 1, 1], [], []>, transpose_lhs_hint = false} : vector<1024x416xf32>, vector<416x64xf32>, vector<1024x64xf32> -> vector<1024x64xf32>
    %get3A_6 = arith.constant 0 : index
    %get3A_7 = arith.constant 0 : index
    %get3A_8 = vector.load %arg4[%get3A_6, %get3A_7] : memref<1x64xf32, #tpu.memory_space<vmem>>, vector<1x64xf32>
    %add3A = vector.broadcast %get3A_8 : vector<1x64xf32> to vector<1024x64xf32>
    %add3A_9 = arith.addf %dot_general3A_5, %add3A : vector<1024x64xf32>
    %max3A = arith.constant 0.000000e+00 : f32
    %max3A_10 = vector.broadcast %max3A : f32 to vector<1024x64xf32>
    %max3A_11 = arith.maximumf %add3A_9, %max3A_10 : vector<1024x64xf32>
    %get3A_12 = arith.constant 0 : index
    %get3A_13 = arith.constant 0 : index
    %get3A_14 = vector.load %arg5[%get3A_12, %get3A_13] : memref<64x32xf32, #tpu.memory_space<vmem>>, vector<64x32xf32>
    %dot_general3A_15 = arith.constant dense<0.000000e+00> : vector<1024x32xf32>
    %dot_general3A_16 = tpu.matmul %max3A_11, %get3A_14, %dot_general3A_15 {dimension_numbers = #tpu.dot_dimension_numbers<[1], [0], [0], [1], [0, 0, 1, 1], [], []>, transpose_lhs_hint = false} : vector<1024x64xf32>, vector<64x32xf32>, vector<1024x32xf32> -> vector<1024x32xf32>
    %get3A_17 = arith.constant 0 : index
    %get3A_18 = arith.constant 0 : index
    %get3A_19 = vector.load %arg6[%get3A_17, %get3A_18] : memref<1x32xf32, #tpu.memory_space<vmem>>, vector<1x32xf32>
    %add3A_20 = vector.broadcast %get3A_19 : vector<1x32xf32> to vector<1024x32xf32>
    %add3A_21 = arith.addf %dot_general3A_16, %add3A_20 : vector<1024x32xf32>
    %max3A_22 = arith.constant 0.000000e+00 : f32
    %max3A_23 = vector.broadcast %max3A_22 : f32 to vector<1024x32xf32>
    %max3A_24 = arith.maximumf %add3A_21, %max3A_23 : vector<1024x32xf32>
    %get3A_25 = arith.constant 0 : index
    %get3A_26 = arith.constant 0 : index
    %get3A_27 = vector.load %arg7[%get3A_25, %get3A_26] : memref<1x32xf32, #tpu.memory_space<vmem>>, vector<1x32xf32>
    %mul3A = vector.broadcast %get3A_27 : vector<1x32xf32> to vector<1024x32xf32>
    %mul3A_28 = arith.mulf %max3A_24, %mul3A : vector<1024x32xf32>
    %reduce_sum3A = arith.constant dense<0.000000e+00> : vector<1024xf32>
    %reduce_sum3A_29 = vector.multi_reduction <add>, %mul3A_28, %reduce_sum3A [1] : vector<1024x32xf32> to vector<1024xf32>
    %broadcast_in_dim3A = vector.shape_cast %reduce_sum3A_29 : vector<1024xf32> to vector<1024x1xf32>
    %get3A_30 = arith.constant 0 : index
    %get3A_31 = arith.constant 0 : index
    %get3A_32 = vector.load %arg2[%get3A_30, %get3A_31] : memref<1024x26xf32, #tpu.memory_space<vmem>>, vector<1024x26xf32>
    %reduce_sum3A_33 = arith.constant dense<0.000000e+00> : vector<1024xf32>
    %reduce_sum3A_34 = vector.multi_reduction <add>, %get3A_32, %reduce_sum3A_33 [1] : vector<1024x26xf32> to vector<1024xf32>
    %broadcast_in_dim3A_35 = vector.shape_cast %reduce_sum3A_34 : vector<1024xf32> to vector<1024x1xf32>
    %add3A_36 = arith.addf %broadcast_in_dim3A, %broadcast_in_dim3A_35 : vector<1024x1xf32>
    %get3A_37 = arith.constant 0 : index
    %get3A_38 = arith.constant 0 : index
    %get3A_39 = vector.load %arg8[%get3A_37, %get3A_38] : memref<1x1xf32, #tpu.memory_space<vmem>>, vector<1x1xf32>
    %add3A_40 = vector.broadcast %get3A_39 : vector<1x1xf32> to vector<1024x1xf32>
    %add3A_41 = arith.addf %add3A_36, %add3A_40 : vector<1024x1xf32>
    %swap3A = arith.constant 0 : index
    %swap3A_42 = arith.constant 0 : index
    %swap3A_43 = vector.load %arg9[%swap3A, %swap3A_42] : memref<1024x1xf32, #tpu.memory_space<vmem>>, vector<1024x1xf32>
    tpu.vector_store %arg9[%swap3A, %swap3A_42], %add3A_41 {strides = array<i32>} : memref<1024x1xf32, #tpu.memory_space<vmem>>, vector<1024x1xf32>,
    return
  }
  func.func @transform_0(%arg0: i32) -> (i32, i32) {
    %c0_i32 = arith.constant 0 : i32
    %c0_i32_0 = arith.constant 0 : i32
    return %arg0, %c0_i32 : i32, i32
  }
  func.func @transform_1(%arg0: i32) -> (i32, i32) {
    %c0_i32 = arith.constant 0 : i32
    %c0_i32_0 = arith.constant 0 : i32
    return %arg0, %c0_i32 : i32, i32
  }
  func.func @transform_2(%arg0: i32) -> (i32, i32) {
    %c0_i32 = arith.constant 0 : i32
    %c0_i32_0 = arith.constant 0 : i32
    %c0_i32_1 = arith.constant 0 : i32
    return %c0_i32, %c0_i32_0 : i32, i32
  }
  func.func @transform_3(%arg0: i32) -> (i32, i32) {
    %c0_i32 = arith.constant 0 : i32
    %c0_i32_0 = arith.constant 0 : i32
    %c0_i32_1 = arith.constant 0 : i32
    return %c0_i32, %c0_i32_0 : i32, i32
  }
  func.func @transform_4(%arg0: i32) -> (i32, i32) {
    %c0_i32 = arith.constant 0 : i32
    %c0_i32_0 = arith.constant 0 : i32
    %c0_i32_1 = arith.constant 0 : i32
    return %c0_i32, %c0_i32_0 : i32, i32
  }
  func.func @transform_5(%arg0: i32) -> (i32, i32) {
    %c0_i32 = arith.constant 0 : i32
    %c0_i32_0 = arith.constant 0 : i32
    %c0_i32_1 = arith.constant 0 : i32
    return %c0_i32, %c0_i32_0 : i32, i32
  }
  func.func @transform_6(%arg0: i32) -> (i32, i32) {
    %c0_i32 = arith.constant 0 : i32
    %c0_i32_0 = arith.constant 0 : i32
    %c0_i32_1 = arith.constant 0 : i32
    return %c0_i32, %c0_i32_0 : i32, i32
  }
  func.func @transform_7(%arg0: i32) -> (i32, i32) {
    %c0_i32 = arith.constant 0 : i32
    %c0_i32_0 = arith.constant 0 : i32
    %c0_i32_1 = arith.constant 0 : i32
    return %c0_i32, %c0_i32_0 : i32, i32
  }
  func.func @transform_8(%arg0: i32) -> (i32, i32) {
    %c0_i32 = arith.constant 0 : i32
    %c0_i32_0 = arith.constant 0 : i32
    return %arg0, %c0_i32 : i32, i32
  }
}

</mosaic_0001>

<sc_bundles>
// kernel: kernel.4.cloned.1.call-start
scs
__scs_entry_jumppad:
0x0: {  	(pc) =	sbr.rel $0x88, $3  }
0x1: {  	(tag) =	ssettag $0x0;
	lr =	simm.s32 $0x1  }
0x2: {  	[smem:$0x3F98] =	sst lr;
	_ =	strace $0xD0000000  }
0x3: {  	_ = 	snop  }
0x4: {  	_ = 	snop  }
0x5: {  	_ = 	snop  }
0x6: {  	_ = 	snop  }
0x7: {  	_ = 	snop  }
__scs_overlays_trampoline_lowered:
0x8: {  	[smem:$0x3FA7] =	sst s0  }
0x9: {  	[smem:$0x3FA8] =	sst s1  }
0xa: {  	[smem:$0x3FA9] =	sst s2  }
0xb: {  	[smem:$0x3FAA] =	sst s3  }
0xc: {  	[smem:$0x3FAB] =	sst s4  }
0xd: {  	[smem:$0x3FAC] =	sst s5  }
0xe: {  	[smem:$0x3FAD] =	sst s6  }
0xf: {  	[smem:$0x3FAE] =	sst s7  }
0x10: {  	[smem:$0x3FAF] =	sst s8  }
0x11: {  	[smem:$0x3FB0] =	sst s9;
	s0 =	simm.s32 @!p0 $0x0  }
0x12: {  	s1 =	sld [smem:$0x3F96];
	s0 =	simm.s32 @p0 $0x1  }
0x13: {  	[smem:$0x3FB1] =	sst s0;
	s0 =	simm.s32 @!p1 $0x0  }
0x14: {  	s2 =	sld [smem:$0x3F95];
	s0 =	simm.s32 @p1 $0x1  }
0x15: {  	[smem:$0x3FB2] =	sst s0;
	s0 =	simm.s32 @!p2 $0x0  }
0x16: {  	s3 =	sld [smem:$0x3FDB];
	s0 =	simm.s32 @p2 $0x1  }
0x17: {  	s4 =	simm.s32 $0x1BF5;
	[smem:$0x3FB4] =	sst s0  }
0x18: {  	s0 =	sld [smem:$0x3F97];
	_ =	swait.ge [sflag:s4], $0x0  }
0x19: {  	s7 =	sld [smem:$0x3F98]  }
0x1a: {  	s8 =	sadd.s32 $0xFFFFE003, lr  }
0x1b: {  	s9 =	sadd.s32 $0xFFFFFEF7, lr;
	s5 =	simm.s32 $0xFFFFFFFF;
	p2 =	slt.u32 s8, $0xFFFFF086  }
0x1c: {  	p1 =	slt.u32 s9, $0xF7A;
	s5 =	simm.s32 @!p2 $0x0  }
0x1d: {  	s5 =	simm.s32 @p1 $0x1;
	p0 =	seq.s32 s7, s2  }
0x1e: {  	s7 =	smul.u32 @!p0 $0xF7A, s2;
	p2 =	seq.s32 @!p0 s5, $0x0  }
0x1f: {  	s9 =	smul.u32 $0xF7A, s1;
	s8 =	simm.s32 @!p0 $0x1BF5;
	p2 =	por !p2, p0  }
0x20: {  	[sflag:s8] =	ssyncset.s32 @!p0 $0xFFFFF086;
	s6 =	sadd.s32 @!p0 s3, s7;
	s7 =	simm.s32 @!p0 $0x108  }
0x21: {  	s3 =	sadd.s32 s3, s9;
	s6 =	sadd.s32 @!p0 $0x88, s6;
	s7 =	simm.s32 @p2 $0x1082  }
0x22: {  	[simem:s7], [sflag:s8] =	dma.local @!p0 [hbm:s6], $0xF7A  }
0x23: {  	s9 =	sor.u32 $0xD0000000, s2;
	s6 =	simm.s32 $0x108;
	_ =	swait.ge @!p0 [sflag:s8], $0x0  }
0x24: {  	s3 =	sadd.s32 $0x88, s3;
	s6 =	simm.s32 @!p1 $0x1082;
	[sflag:s4] =	ssyncset.s32 $0xFFFFF086  }
0x25: {  	[simem:s6], [sflag:s4] =	dma.local [hbm:s3], $0xF7A  }
0x26: {  	[smem:$0x3F98] =	sst s1;
	(tag) =	ssettag s2;
	_ =	strace s9  }
0x27: {  	s1 =	sld [smem:$0x3FA8]  }
0x28: {  	s2 =	sld [smem:$0x3FA9]  }
0x29: {  	s4 =	sld [smem:$0x3FAB]  }
0x2a: {  	p0 =	seq.s32 s5, $0x0;
	s5 =	sld [smem:$0x3FAC]  }
0x2b: {  	s6 =	sld [smem:$0x3FAD]  }
0x2c: {  	s7 =	sld [smem:$0x3FAE]  }
0x2d: {  	s3 =	simm.s32 $0x108;
	s8 =	sld [smem:$0x3FAF]  }
0x2e: {  	s3 =	simm.s32 @!p0 $0x1082;
	s9 =	sld [smem:$0x3FB0]  }
0x2f: {  	lr =	sadd.s32 s0, s3;
	s0 =	sld [smem:$0x3FA7]  }
0x30: {  	s3 =	sld [smem:$0x3FAA]  }
0x31: {  	[smem:$0x3FB3] =	sst s10  }
0x32: {  	s10 =	sld [smem:$0x3FB1];
	_ =	sdelay $0x3  }
0x33: {  	p0 =	seq.s32 s10, $0x1;
	s10 =	sld [smem:$0x3FB3];
	_ =	sdelay $0x3  }
0x34: {  	[smem:$0x3FB3] =	sst s10  }
0x35: {  	s10 =	sld [smem:$0x3FB2];
	_ =	sdelay $0x3  }
0x36: {  	p1 =	seq.s32 s10, $0x1;
	s10 =	sld [smem:$0x3FB3];
	_ =	sdelay $0x3  }
0x37: {  	[smem:$0x3FB3] =	sst s10  }
0x38: {  	s10 =	sld [smem:$0x3FB4]  }
0x39: {  	_ = 	snop;
	(pc) =	sbr.ind lr, $3  }
0x3a: {  	_ = 	snop  }
0x3b: {  	_ = 	snop  }
0x3c: {  	p2 =	seq.s32 s10, $0x1;
	s10 =	sld [smem:$0x3FB3]  }
0x3d: {  	_ =	shalt  }
0x3e: {  	_ =	shalt  }
0x3f: {  	_ =	shalt  }
0x40: {  	_ =	shalt  }
0x41: {  	_ =	shalt  }
0x42: {  	_ =	shalt  }
0x43: {  	_ =	shalt  }
0x44: {  	_ =	shalt  }
0x45: {  	_ =	shalt  }
0x46: {  	_ =	shalt  }
0x47: {  	_ =	shalt  }
0x48: {  	_ =	shalt  }
0x49: {  	_ =	shalt  }
0x4a: {  	_ =	shalt  }
0x4b: {  	_ =	shalt  }
0x4c: {  	_ =	shalt  }
0x4d: {  	_ =	shalt  }
0x4e: {  	_ =	shalt  }
0x4f: {  	_ =	shalt  }
0x50: {  	_ =	shalt  }
0x51: {  	_ =	shalt  }
0x52: {  	_ =	shalt  }
0x53: {  	_ =	shalt  }
0x54: {  	_ =	shalt  }
0x55: {  	_ =	shalt  }
0x56: {  	_ =	shalt  }
0x57: {  	_ =	shalt  }
0x58: {  	_ =	shalt  }
0x59: {  	_ =	shalt  }
0x5a: {  	_ =	shalt  }
0x5b: {  	_ =	shalt  }
0x5c: {  	_ =	shalt  }
0x5d: {  	_ =	shalt  }
0x5e: {  	_ =	shalt  }
0x5f: {  	_ =	shalt  }
0x60: {  	_ =	shalt  }
0x61: {  	_ =	shalt  }
0x62: {  	_ =	shalt  }
0x63: {  	_ =	shalt  }
0x64: {  	_ =	shalt  }
0x65: {  	_ =	shalt  }
0x66: {  	_ =	shalt  }
0x67: {  	_ =	shalt  }
0x68: {  	_ =	shalt  }
0x69: {  	_ =	shalt  }
0x6a: {  	_ =	shalt  }
0x6b: {  	_ =	shalt  }
0x6c: {  	_ =	shalt  }
0x6d: {  	_ =	shalt  }
0x6e: {  	_ =	shalt  }
0x6f: {  	_ =	shalt  }
0x70: {  	_ =	shalt  }
0x71: {  	_ =	shalt  }
0x72: {  	_ =	shalt  }
0x73: {  	_ =	shalt  }
0x74: {  	_ =	shalt  }
0x75: {  	_ =	shalt  }
0x76: {  	_ =	shalt  }
0x77: {  	_ =	shalt  }
0x78: {  	_ =	shalt  }
0x79: {  	_ =	shalt  }
0x7a: {  	_ =	shalt  }
0x7b: {  	_ =	shalt  }
0x7c: {  	_ =	shalt  }
0x7d: {  	_ =	shalt  }
0x7e: {  	_ =	shalt  }
0x7f: {  	_ =	shalt  }
0x80: {  	_ =	shalt  }
0x81: {  	_ =	shalt  }
0x82: {  	_ =	shalt  }
0x83: {  	_ =	shalt  }
0x84: {  	_ =	shalt  }
0x85: {  	_ =	shalt  }
0x86: {  	_ =	shalt  }
0x87: {  	_ =	shalt  }
.Lfunc_end0:
.L_simem_size_0:
called_computation_lowered:
.L_overlay_start_0:
0x88: {  	s2 =	sld [smem:$0x3FD9]  }
0x89: {  	s3 =	sld [smem:$0x3FFE];
	_ =	sdelay $0x1  }
0x8a: {  	s1 =	srdreg.scid  }
0x8b: {  	s0 =	sand.u32 $0x1, s1  }
0x8c: {  	s16 =	sshll.u32 s0, $0xA;
	s2 =	sadd.s32 s3, s2  }
0x8d: {  	s2 =	sadd.s32 s2, s16  }
0x8e: {  	[smem:$0x3FBF] =	sst s2  }
0x8f: {  	_ = 	snop  }
0x90: {  	(tm) =	ssettm $0x1  }
0x91: {  	s17 =	sld [smem:$0x3FFB];
	_ =	sdelay $0x3  }
0x92: {  	_ =	strace s17  }
0x93: {  	s2 =	sld [smem:$0x3FFC];
	_ =	sdelay $0x3  }
0x94: {  	_ =	strace s2  }
0x95: {  	s2 =	sld [smem:$0x3FFD];
	_ =	sdelay $0x3  }
0x96: {  	_ =	strace s2  }
0x97: {  	_ =	strace $0x8FFFFFFF  }
0x98: {  	s18 =	sld [smem:$0x3FDB];
	_ =	sdelay $0x1  }
0x99: {  	s19 =	simm.s32 $_scs_section_size  }
0x9a: {  	s4 =	simm.s32 $_size__tile_overlayer_lowered;
	s5 =	simm.s32 $_tile_overlayer_lowered  }
0x9b: {  	s22 =	simm.s32 $0x1BFF;
	s21 =	sshll.u32 s5, $0x1;
	s2 =	sadd.s32 s19, s18  }
0x9c: {  	s6 =	simm.s32 $0x0;
	s20 =	sshll.u32 s4, $0x1;
	s4 =	sadd.s32 s21, s2  }
0x9d: {  	[timem:s6], [sflag:s22] =	dma.local [hbm:s4], s20  }
0x9e: {  	_ =	swait.ge [sflag:s22], s20  }
0x9f: {  	s3 =	ssub.s32 $0x0, s20;
	[sflag:s22] =	ssyncset.done $0x0  }
0xa0: {  	[sflag:s22] =	ssyncadd.s32 s3;
	_ =	sdelay $0x1  }
0xa1: {  	s23 =	simm.s32 $0x1B8B  }
0xa2: {  	_ =	swait.ge [sflag:s23], $0x1  }
0xa3: {  	[sflag:s23] =	ssyncset.done $0x0  }
0xa4: {  	s25 =	simm.s32 $0x1B8E;
	s24 =	sld [smem:$0x3FFE];
	[sflag:s23] =	ssyncadd.s32 $0xFFFFFFFF  }
0xa5: {  	s26 =	simm.s32 $execute0_lowered;
	[smem:$0x3FD2] =	sst s25  }
0xa6: {  	s4 =	sshll.u32 s26, $0x1;
	_ =	strace $0x80000046;
	[dreg:$0x1] =	wrdreg $0xFFFFFFFF  }
0xa7: {  	s28 =	simm.s32 $_size_execute0_lowered;
	s2 =	sadd.s32 s2, s4;
	[dreg:$0x0] =	wrdreg $0x0  }
0xa8: {  	s4 =	sshll.u32 s28, $0x1;
	[dreg:$0x2] =	wrdreg s2  }
0xa9: {  	[dreg:$0x3] =	wrdreg s4  }
0xaa: {  	[dreg:$0x4] =	wrdreg $0xC0  }
0xab: {  	_ =	task [dreg:s6], $0x5FFFF  }
0xac: {  	[dreg:$0x1] =	wrdreg $0xFFFFFFFF  }
0xad: {  	[dreg:$0x0] =	wrdreg $0x60  }
0xae: {  	[dreg:$0x2] =	wrdreg s24  }
0xaf: {  	[dreg:$0x3] =	wrdreg $0x9  }
0xb0: {  	_ =	task.clear_ibuf [dreg:s6], $0x4FFFF;
	_ =	strace $0x90000046  }
0xb1: {  	s29 =	simm.s32 $0x9;
	_ =	strace $0x80000048  }
0xb2: {  	_ =	swait.ge [sflag:s29], $0x1  }
0xb3: {  	[sflag:s29] =	ssyncadd.s32 $0xFFFFFFFF  }
0xb4: {  	_ =	strace $0x90000048  }
0xb5: {  	_ =	sfence  }
0xb6: {  	s30 =	sld [smem:$0x0];
	_ =	sdelay $0x2  }
0xb7: {  	s31 =	sshll.u32 s1, $0xD;
	s1 =	sshrl.u32 s1, $0x2  }
0xb8: {  	s3 =	sand.u32 $0x4000, s31;
	s1 =	sadd.s32 s1, s30  }
0xb9: {  	s0 =	sor.u32 s3, s0;
	s1 =	sshll.u32 s1, $0x11  }
0xba: {  	s0 =	sor.u32 s1, s0  }
0xbb: {  	s0 =	sadd.s32 $0x8F2B, s0  }
0xbc: {  	[sflag:s0] =	ssyncadd.remote.s32 $0x1  }
0xbd: {  	_ =	sfence.sel $0xFFFF  }
0xbe: {  	[dreg:$0x0] =	wrdreg $0xFFFFFFFF;
	(pc) =	sbr.abs _section_cstart, $3  }
0xbf: {  	[dreg:$0x1] =	wrdreg $0xFFFFFFFF  }
0xc0: {  	_ =	task.clear_ibuf [dreg:s6], $0x2FFFF;
	_ =	strace $0x9FFFFFFF  }
0xc1: {  	(tm) =	ssettm $0x7FFFFFFF  }
tec
execute0_lowered:
.L_overlay_start_1:
0x0: {  	(tag) =	ssettag $0x1  }
0x1: {  	s1 =	srdreg.scid  }
0x2: {  	s0 =	stileid.u32;
	s6 =	rddreg [dreg:$0x0];
	s2 =	simm.s32 $0x0  }
0x3: {  	s13 =	simm.s32 $0x6800;
	s14 =	simm.s32 $0x7000;
	s15 =	simm.s32 $0x1  }
0x4: {  	s16 =	simm.s32 $0x0;
	s5 =	sand.u32 $0x1, s1;
	s8 =	smul.u32 $0xD000, s0  }
0x5: {  	s29 =	sshll.u32 s0, $0x1;
	s1 =	rddreg [dreg:$0x1];
	s9 =	smul.u32 $0x6800, s0  }
0x6: {  	[smem:$0x7FF] =	sst s2;
	s4 =	sadd.s32 $0xC00, s6;
	s11 =	smul.u32 $0x3400, s5  }
0x7: {  	s3 =	sor.u32 s5, s29;
	s10 =	ssub.s32 $0x2, s5;
	s12 =	smul.u32 $0x6800, s5  }
0x8: {  	_ =	strace $0x80000047;
	s3 =	smul.u32 $0x680, s3;
	s30 =	sshrl.u32 s10, $0x1  }
0x9: {  	s8 =	sadd.s32 s8, s6;
	s9 =	sadd.s32 s9, s6;
	s10 =	ssub.s32 s10, s30  }
0xa: {  	s9 =	sadd.s32 s11, s9;
	s31 =	sadd.s32 s12, s8;
	s11 =	simm.s32 $0x3400  }
0xb: {  	s7 =	sadd.s32 s3, s6;
	s3 =	sadd.s32 $0x2A27E00, s6;
	s8 =	sadd.s32 $0x295A00, s9  }
0xc: {  	s12 =	simm.s32 $0x80;
	s9 =	sadd.s32 $0x2FDA00, s31;
	s5 =	sadd.s32 $0x27BA00, s7  }
0xd: {  	s6 =	sadd.s32 $0x288A00, s7;
	s7 =	smax.u32 s10, $0x1;
	s10 =	simm.s32 $0x2  }
.LBB2_1:
0xe: {  	[tilespmem:s2], [sflag:$0x2] =	stream.linear.gather [hbm4b:s5+s2], $0x3400, $0x38;
	[tilespmem:$0x7400] =	vst v63  }
0xf: {  	_ =	swait.ge [sflag:s10], $0x3400  }
0x10: {  	[sflag:s10] =	ssyncset.done $0x0  }
0x11: {  	[sflag:s10] =	ssyncadd.s32 $0xFFFFCC00  }
0x12: {  	[tilespmem:s11], [sflag:$0x2] =	stream.linear.gather [hbm4b:s6+s2], $0x3400, $0x38;
	[tilespmem:$0x7400] =	vst v63  }
0x13: {  	_ =	swait.ge [sflag:s10], $0x3400  }
0x14: {  	[sflag:s10] =	ssyncset.done $0x0  }
0x15: {  	s17 =	simm.s32 $0x0;
	[sflag:s10] =	ssyncadd.s32 $0xFFFFCC00  }
0x16: {  	[tilespmem:s13], [sflag:$0x1] =	stream.indirect.gather [hbm4b:s3+s12], $0x10, s17, s12, $0xb8;
	[tilespmem:$0x7400] =	vst v63  }
0x17: {  	s31 =	simm.s32 $0x3400  }
0x18: {  	[tilespmem:s14], [sflag:$0x1] =	stream.indirect.gather [hbm4b:s4+s12], $0x1, s31, s12, $0xb8;
	[tilespmem:$0x7400] =	vst v63  }
0x19: {  	_ =	swait.ge [sflag:s15], $0x800  }
0x1a: {  	[sflag:s15] =	ssyncset.done $0x0  }
0x1b: {  	[sflag:s15] =	ssyncadd.s32 $0xFFFFF800  }
0x1c: {  	_ =	swait.ge [sflag:s15], $0x80  }
0x1d: {  	[sflag:s15] =	ssyncset.done $0x0  }
0x1e: {  	[sflag:s15] =	ssyncadd.s32 $0xFFFFFF80  }
0x1f: {  	[hbm4b:s9+s2] =	stream.linear.scatter [tilespmem:s13], [sflag:$0x2], $0x800, $0x38;
	[tilespmem:$0x7400] =	vst v63  }
0x20: {  	_ =	swait.ge [sflag:s10], $0x800  }
0x21: {  	[sflag:s10] =	ssyncset.done $0x0  }
0x22: {  	[sflag:s10] =	ssyncadd.s32 $0xFFFFF800  }
0x23: {  	[hbm4b:s8+s2] =	stream.linear.scatter [tilespmem:s14], [sflag:$0x2], $0x400, $0x38;
	[tilespmem:$0x7400] =	vst v63  }
0x24: {  	s19 =	simm.s32 $0x200;
	s20 =	simm.s32 $0x400;
	_ =	swait.ge [sflag:s10], $0x400  }
0x25: {  	s18 =	sadd.s32 $0x100, s9;
	s17 =	sadd.s32 $0x80, s8;
	[sflag:s10] =	ssyncset.done $0x0  }
.LBB2_2:
0x26: {  	s21 =	sshra.s32 s19, $0x2  }
0x27: {  	[sflag:s10] =	ssyncadd.s32 $0xFFFFFC00;
	s19 =	smov.u32 s20;
	s22 =	sadd.s32 $0x200, s20  }
0x28: {  	[tilespmem:s13], [sflag:$0x1] =	stream.indirect.gather [hbm4b:s3+s12], $0x10, s21, s12, $0xb8;
	[tilespmem:$0x7400] =	vst v63  }
0x29: {  	p0 =	sne.s32 s20, $0xCE00;
	s20 =	sadd.s32 $0x3400, s21  }
0x2a: {  	[tilespmem:s14], [sflag:$0x1] =	stream.indirect.gather [hbm4b:s4+s12], $0x1, s20, s12, $0xb8;
	[tilespmem:$0x7400] =	vst v63  }
0x2b: {  	_ =	swait.ge [sflag:s15], $0x800  }
0x2c: {  	[sflag:s15] =	ssyncset.done $0x0  }
0x2d: {  	[sflag:s15] =	ssyncadd.s32 $0xFFFFF800  }
0x2e: {  	_ =	swait.ge [sflag:s15], $0x80  }
0x2f: {  	[sflag:s15] =	ssyncset.done $0x0  }
0x30: {  	[sflag:s15] =	ssyncadd.s32 $0xFFFFFF80  }
0x31: {  	[hbm4b:s18+s2] =	stream.linear.scatter [tilespmem:s13], [sflag:$0x2], $0x800, $0x38;
	[tilespmem:$0x7400] =	vst v63  }
0x32: {  	_ =	swait.ge [sflag:s10], $0x800  }
.Ltmp0:
0x33: {  	[sflag:s10] =	ssyncset.done $0x0;
	(pc) =	sbr.rel @p0 .LBB2_2-.Ltmp0, $4  }
0x34: {  	[sflag:s10] =	ssyncadd.s32 $0xFFFFF800  }
0x35: {  	[hbm4b:s17+s2] =	stream.linear.scatter [tilespmem:s14], [sflag:$0x2], $0x400, $0x38;
	[tilespmem:$0x7400] =	vst v63  }
0x36: {  	s20 =	smov.u32 s22;
	_ =	swait.ge [sflag:s10], $0x400  }
0x37: {  	s18 =	sadd.s32 $0x100, s18;
	s17 =	sadd.s32 $0x80, s17;
	[sflag:s10] =	ssyncset.done $0x0  }
0x38: {  	s19 =	sshra.s32 s19, $0x2;
	[sflag:s10] =	ssyncadd.s32 $0xFFFFFC00  }
0x39: {  	[tilespmem:s13], [sflag:$0x1] =	stream.indirect.gather [hbm4b:s3+s12], $0x10, s19, s12, $0xb8;
	[tilespmem:$0x7400] =	vst v63  }
0x3a: {  	s19 =	sadd.s32 $0x3400, s19  }
0x3b: {  	[tilespmem:s14], [sflag:$0x1] =	stream.indirect.gather [hbm4b:s4+s12], $0x1, s19, s12, $0xb8;
	[tilespmem:$0x7400] =	vst v63  }
0x3c: {  	_ =	swait.ge [sflag:s15], $0x800  }
0x3d: {  	[sflag:s15] =	ssyncset.done $0x0  }
0x3e: {  	[sflag:s15] =	ssyncadd.s32 $0xFFFFF800  }
0x3f: {  	_ =	swait.ge [sflag:s15], $0x80  }
0x40: {  	[sflag:s15] =	ssyncset.done $0x0  }
0x41: {  	[sflag:s15] =	ssyncadd.s32 $0xFFFFFF80  }
0x42: {  	[hbm4b:s18+s2] =	stream.linear.scatter [tilespmem:s13], [sflag:$0x2], $0x800, $0x38;
	[tilespmem:$0x7400] =	vst v63  }
0x43: {  	s16 =	sadd.s32 $0x1, s16;
	_ =	swait.ge [sflag:s10], $0x800  }
0x44: {  	p0 =	sne.s32 s16, s7;
	[sflag:s10] =	ssyncset.done $0x0  }
.Ltmp1:
0x45: {  	[sflag:s10] =	ssyncadd.s32 $0xFFFFF800;
	(pc) =	sbr.rel @p0 .LBB2_1-.Ltmp1, $4  }
0x46: {  	[hbm4b:s17+s2] =	stream.linear.scatter [tilespmem:s14], [sflag:$0x2], $0x400, $0x38;
	[tilespmem:$0x7400] =	vst v63  }
0x47: {  	_ =	swait.ge [sflag:s10], $0x400  }
0x48: {  	[sflag:s10] =	ssyncset.done $0x0  }
0x49: {  	[sflag:s10] =	ssyncadd.s32 $0xFFFFFC00  }
0x4a: {  	_ =	sfence.sel $0x180000  }
0x4b: {  	[bflag:$0x0] =	sbarrier.arrive $0xFFFF  }
0x4c: {  	p0 =	sne.s32 s0, $0x0;
	_ =	strace $0x90000047  }
0x4d: {  	s0 =	sadd.s32 @!p0 $0x100000, s1;
	[bflag:$0x2] =	sbarrier.arrive $0xFFFF  }
0x4e: {  	[sflag:s0] =	ssyncadd.tile.s32 @!p0 $0x1;
	_ =	shalt  }
.Lfunc_end2:
_tile_overlayer_lowered:
.L_overlay_start_2:
0x4f: {  	(tag) =	ssettag $0x2  }
0x50: {  	s0 =	rddreg [dreg:$0x0];
	s2 =	stileid.u32  }
0x51: {  	s1 =	rddreg [dreg:$0x1];
	p0 =	sne.s32 s2, $0x0  }
0x52: {  	s3 =	rddreg [dreg:$0x2];
	[bflag:$0x3] =	sbarrier.arrive $0xFFFF;
	s2 =	simm.s32 @!p0 $0x1C02  }
0x53: {  	[timem:s3], [sflag:s2] =	dma.local @!p0 [hbm:s0], s1  }
0x54: {  	s0 =	simm.s32 @!p0 $0x2  }
0x55: {  	_ =	swait.ge @!p0 [sflag:s0], s1  }
0x56: {  	s1 =	ssub.s32 @!p0 $0x0, s1;
	[sflag:s0] =	ssyncset.done @!p0 $0x0  }
0x57: {  	[sflag:s0] =	ssyncadd.s32 @!p0 s1  }
0x58: {  	[bflag:$0x3] =	sbarrier.arrive $0xFFFF  }
0x59: {  	_ =	shalt  }

</sc_bundles>
